<compile_context>
chip_gen: v7x
topology: tpu7x:2x2x1
jax: 0.10.2.dev20260603
libtpu: 0.0.44.dev20260713+nightly
codegen_flags: <defaults>
</compile_context>

<pallas_src>
import functools
import jax
import jax.numpy as jnp
from jax import lax
from jax.experimental import pallas as pl
from jax.experimental.pallas import tpu as pltpu
from jax.experimental.pallas import tpu_sc as plsc

_NUM_CORES = 2
_NUM_SUBCORES = 16
_NW = _NUM_CORES * _NUM_SUBCORES

_B = 16384
_D = 2048
_BPW = _B // _NW
_C = 8
_NCHUNK = _BPW // _C
_NBUF = 4

_mesh = plsc.VectorSubcoreMesh(core_axis_name="c", subcore_axis_name="s")


@functools.partial(
    pl.kernel,
    out_type=jax.ShapeDtypeStruct((_B, _D), jnp.float32),
    mesh=_mesh,
    scratch_types=[
        pltpu.VMEM((_BPW,), jnp.int32),
        pltpu.VMEM((_C, _D), jnp.float32),
        pltpu.VMEM((_C, _D), jnp.float32),
        pltpu.VMEM((_C, _D), jnp.float32),
        pltpu.VMEM((_C, _D), jnp.float32),
        pltpu.SemaphoreType.DMA,
        pltpu.SemaphoreType.DMA,
    ],
)
def _gather(table_hbm, idx_hbm, out_hbm, idx_v, b0, b1, b2, b3, gsem, osem):
    wid = lax.axis_index("s") * _NUM_CORES + lax.axis_index("c")
    base = wid * _BPW
    pltpu.sync_copy(idx_hbm.at[pl.ds(base, _BPW)], idx_v)

    bufs = (b0, b1, b2, b3)

    def start_gather(g, buf):
        pltpu.async_copy(table_hbm.at[idx_v.at[pl.ds(g * _C, _C)]], buf, gsem)

    def drain_gather(buf):
        pltpu.make_async_copy(table_hbm.at[pl.ds(0, _C)], buf, gsem).wait()

    def start_ocopy(g, buf):
        pltpu.async_copy(buf, out_hbm.at[pl.ds(base + g * _C, _C)], osem)

    def drain_ocopy(buf):
        pltpu.make_async_copy(buf, out_hbm.at[pl.ds(base, _C)], osem).wait()

    start_gather(0, bufs[0])
    start_gather(1, bufs[1])

    @pl.loop(0, _NCHUNK, step=_NBUF)
    def _body(g0):
        for b in range(_NBUF):
            g = g0 + b
            buf = bufs[b]
            nxt = bufs[(b + 2) % _NBUF]

            drain_gather(buf)
            start_ocopy(g, buf)

            @pl.when((g >= 2) & (g + 2 < _NCHUNK))
            def _():
                drain_ocopy(nxt)

            @pl.when(g + 2 < _NCHUNK)
            def _():
                start_gather(g + 2, nxt)

    for k in range(_NBUF):
        drain_ocopy(bufs[(_NCHUNK - _NBUF + k) % _NBUF])


def kernel(x, pe):
    xf = x.reshape(-1).astype(jnp.int32)
    out = _gather(pe, xf)
    return out.reshape(x.shape[0], x.shape[1], pe.shape[1])

# --- scband reference (transcript-rebuilt; emitter-appended) ---
"""Pipeline reference for scband-positional-embedding-67327907332633 (READ-ONLY COPY).

The authoritative reference and input builder live on the scoring server;
editing this copy changes nothing except your own understanding.
"""

import jax, jax.numpy as jnp
import numpy as np
import math

POSITION_DIM = 2048
MAX_LEN = 4096


def _build_pe():
    pe = np.zeros((MAX_LEN, POSITION_DIM), dtype=np.float32)
    position = np.arange(0, MAX_LEN, dtype=np.float32)[:, None]
    div_term = np.exp(np.arange(0, POSITION_DIM, 2, dtype=np.float32) * -(math.log(10000.0) / POSITION_DIM))
    pe[:, 0::2] = np.sin(position * div_term)
    pe[:, 1::2] = np.cos(position * div_term)
    return jnp.asarray(pe)


def setup_inputs(seed: int = 0) -> dict:
    key = jax.random.key(seed)
    k1, _ = jax.random.split(key)
    x = jax.random.randint(k1, (4, 4096), 0, MAX_LEN, dtype=jnp.int64) if jax.config.jax_enable_x64 else jax.random.randint(k1, (4, 4096), 0, MAX_LEN, dtype=jnp.int32)
    pe = _build_pe()
    return {"x": x, "pe": pe}


def reference(x, pe):
    # PositionalEmbedding.forward: return self.pe[x, :]
    return jnp.take(pe, x, axis=0)

if __name__ == "__main__":
    import jax
    _d = setup_inputs()
    print(jax.jit(kernel)(*tuple(_d.values())))

</pallas_src>

<mosaic_0001>
#map = affine_map<(d0, d1) -> (0, 0)>
#map1 = affine_map<(d0, d1) -> (0)>
module attributes {stable_mosaic.version = 14 : i64} {
  func.func @_gather(%arg0: i32, %arg1: i32, %arg2: memref<4096x2048xf32, #tpu.memory_space<hbm>>, %arg3: memref<16384xi32, #tpu.memory_space<hbm>>, %arg4: memref<16384x2048xf32, #tpu.memory_space<hbm>>, %arg5: memref<512xi32, #tpu.memory_space<vmem>>, %arg6: memref<8x2048xf32, #tpu.memory_space<vmem>>, %arg7: memref<8x2048xf32, #tpu.memory_space<vmem>>, %arg8: memref<8x2048xf32, #tpu.memory_space<vmem>>, %arg9: memref<8x2048xf32, #tpu.memory_space<vmem>>, %arg10: memref<!tpu.dma_semaphore, #tpu.memory_space<semaphore_mem>>, %arg11: memref<!tpu.dma_semaphore, #tpu.memory_space<semaphore_mem>>) attributes {dimension_semantics = [#tpu.dimension_semantics<core_parallel>, #tpu.dimension_semantics<subcore_parallel>], iteration_bounds = array<i64: 2, 16>, scalar_prefetch = 0 : i64, scratch_operands = 7 : i64, tpu.core_type = #tpu.core_type<sc_vector_subcore>, window_params = [{transform_indices = #map}, {transform_indices = #map1}, {transform_indices = #map}]} {
    %mul3A = arith.constant 2 : i32
    %mul3A_0 = arith.muli %arg1, %mul3A : i32
    %add3A = arith.addi %mul3A_0, %arg0 : i32
    %mul3A_1 = arith.constant 512 : i32
    %mul3A_2 = arith.muli %add3A, %mul3A_1 : i32
    "tpu.region"() ({
      %run_scoped3A = tpu.sem_alloc : memref<!tpu.dma_semaphore, #tpu.memory_space<semaphore_mem>>
      %dma_start3A_31 = tpu.memref_slice %arg3[%mul3A_2] : memref<16384xi32, #tpu.memory_space<hbm>> -> memref<512xi32, #tpu.memory_space<hbm>>
      %dma_start3A_32 = tpu.memref_slice %arg3[%mul3A_2] : memref<16384xi32, #tpu.memory_space<hbm>> -> memref<512xi32, #tpu.memory_space<hbm>>
      tpu.enqueue_dma source(%dma_start3A_32 : memref<512xi32, #tpu.memory_space<hbm>>) target(%arg5 : memref<512xi32, #tpu.memory_space<vmem>>) target_semaphore(%run_scoped3A : memref<!tpu.dma_semaphore, #tpu.memory_space<semaphore_mem>>)
      %dma_wait3A_33 = tpu.memref_slice %arg3[%mul3A_2] : memref<16384xi32, #tpu.memory_space<hbm>> -> memref<512xi32, #tpu.memory_space<hbm>>
      %dma_wait3A_34 = tpu.memref_slice %arg3[%mul3A_2] : memref<16384xi32, #tpu.memory_space<hbm>> -> memref<512xi32, #tpu.memory_space<hbm>>
      tpu.wait_dma2 semaphore(%run_scoped3A : memref<!tpu.dma_semaphore, #tpu.memory_space<semaphore_mem>>) src(%dma_wait3A_34 : memref<512xi32, #tpu.memory_space<hbm>>) dst(%arg5 : memref<512xi32, #tpu.memory_space<vmem>>)
      tpu.yield
    }) : () -> ()
    %dma_start3A = arith.constant 0 : i32
    %dma_start3A_3 = tpu.memref_slice %arg5[%dma_start3A] : memref<512xi32, #tpu.memory_space<vmem>> -> memref<8xi32, #tpu.memory_space<vmem>>
    %dma_start3A_4 = arith.constant 0 : i32
    %dma_start3A_5 = arith.constant 0 : i32
    %dma_start3A_6 = tpu.memref_slice %arg2[%dma_start3A_4, %dma_start3A_5] : memref<4096x2048xf32, #tpu.memory_space<hbm>> -> memref<4096x2048xf32, #tpu.memory_space<hbm>>
    tpu.enqueue_indirect_dma source(%dma_start3A_6 : memref<4096x2048xf32, #tpu.memory_space<hbm>>) target(%arg6 : memref<8x2048xf32, #tpu.memory_space<vmem>>) offsets(%dma_start3A_3 : memref<8xi32, #tpu.memory_space<vmem>>) semaphore(%arg10 : memref<!tpu.dma_semaphore, #tpu.memory_space<semaphore_mem>>)
    %dma_start3A_7 = arith.constant 8 : i32
    %dma_start3A_8 = tpu.memref_slice %arg5[%dma_start3A_7] : memref<512xi32, #tpu.memory_space<vmem>> -> memref<8xi32, #tpu.memory_space<vmem>>
    %dma_start3A_9 = arith.constant 0 : i32
    %dma_start3A_10 = arith.constant 0 : i32
    %dma_start3A_11 = tpu.memref_slice %arg2[%dma_start3A_9, %dma_start3A_10] : memref<4096x2048xf32, #tpu.memory_space<hbm>> -> memref<4096x2048xf32, #tpu.memory_space<hbm>>
    tpu.enqueue_indirect_dma source(%dma_start3A_11 : memref<4096x2048xf32, #tpu.memory_space<hbm>>) target(%arg7 : memref<8x2048xf32, #tpu.memory_space<vmem>>) offsets(%dma_start3A_8 : memref<8xi32, #tpu.memory_space<vmem>>) semaphore(%arg10 : memref<!tpu.dma_semaphore, #tpu.memory_space<semaphore_mem>>)
    %scan3A = arith.constant 0 : i32
    %scan3A_12 = arith.constant 16 : i32
    %scan3A_13 = arith.addi %scan3A, %scan3A_12 : i32
    %scan3A_14 = arith.constant 1 : i32
    scf.for %scan3A_31 = %scan3A to %scan3A_13 step %scan3A_14  : i32 {
      %mul3A_32 = arith.constant 4 : i32
      %mul3A_33 = arith.muli %scan3A_31, %mul3A_32 : i32
      %add3A_34 = arith.constant 0 : i32
      %add3A_35 = arith.addi %add3A_34, %mul3A_33 : i32
      %add3A_36 = arith.constant 0 : i32
      %add3A_37 = arith.addi %add3A_35, %add3A_36 : i32
      %dma_wait3A_38 = arith.constant 0 : i32
      %dma_wait3A_39 = arith.constant 0 : i32
      %dma_wait3A_40 = tpu.memref_slice %arg2[%dma_wait3A_38, %dma_wait3A_39] : memref<4096x2048xf32, #tpu.memory_space<hbm>> -> memref<8x2048xf32, #tpu.memory_space<hbm>>
      %dma_wait3A_41 = arith.constant 0 : i32
      %dma_wait3A_42 = arith.constant 0 : i32
      %dma_wait3A_43 = tpu.memref_slice %arg2[%dma_wait3A_41, %dma_wait3A_42] : memref<4096x2048xf32, #tpu.memory_space<hbm>> -> memref<8x2048xf32, #tpu.memory_space<hbm>>
      tpu.wait_dma2 semaphore(%arg10 : memref<!tpu.dma_semaphore, #tpu.memory_space<semaphore_mem>>) src(%dma_wait3A_43 : memref<8x2048xf32, #tpu.memory_space<hbm>>) dst(%arg6 : memref<8x2048xf32, #tpu.memory_space<vmem>>)
      %mul3A_44 = arith.constant 8 : i32
      %mul3A_45 = arith.muli %add3A_37, %mul3A_44 : i32
      %add3A_46 = arith.addi %mul3A_2, %mul3A_45 : i32
      %dma_start3A_47 = arith.constant 0 : i32
      %dma_start3A_48 = tpu.memref_slice %arg4[%add3A_46, %dma_start3A_47] : memref<16384x2048xf32, #tpu.memory_space<hbm>> -> memref<8x2048xf32, #tpu.memory_space<hbm>>
      %dma_start3A_49 = arith.constant 0 : i32
      %dma_start3A_50 = tpu.memref_slice %arg4[%add3A_46, %dma_start3A_49] : memref<16384x2048xf32, #tpu.memory_space<hbm>> -> memref<8x2048xf32, #tpu.memory_space<hbm>>
      tpu.enqueue_dma source(%arg6 : memref<8x2048xf32, #tpu.memory_space<vmem>>) target(%dma_start3A_50 : memref<8x2048xf32, #tpu.memory_space<hbm>>) target_semaphore(%arg11 : memref<!tpu.dma_semaphore, #tpu.memory_space<semaphore_mem>>)
      %ge3A = arith.constant 2 : i32
      %ge3A_51 = arith.cmpi sge, %add3A_37, %ge3A : i32
      %add3A_52 = arith.constant 2 : i32
      %add3A_53 = arith.addi %add3A_37, %add3A_52 : i32
      %lt3A = arith.constant 64 : i32
      %lt3A_54 = arith.cmpi slt, %add3A_53, %lt3A : i32
      %and3A = arith.andi %ge3A_51, %lt3A_54 : i1
      %convert_element_type3A = arith.extui %and3A : i1 to i32
      %cond3A = arith.constant 0 : i32
      %cond3A_55 = arith.cmpi ne, %convert_element_type3A, %cond3A : i32
      scf.if %cond3A_55 {
        %dma_wait3A_159 = arith.constant 0 : i32
        %dma_wait3A_160 = tpu.memref_slice %arg4[%mul3A_2, %dma_wait3A_159] : memref<16384x2048xf32, #tpu.memory_space<hbm>> -> memref<8x2048xf32, #tpu.memory_space<hbm>>
        %dma_wait3A_161 = arith.constant 0 : i32
        %dma_wait3A_162 = tpu.memref_slice %arg4[%mul3A_2, %dma_wait3A_161] : memref<16384x2048xf32, #tpu.memory_space<hbm>> -> memref<8x2048xf32, #tpu.memory_space<hbm>>
        tpu.wait_dma2 semaphore(%arg11 : memref<!tpu.dma_semaphore, #tpu.memory_space<semaphore_mem>>) src(%arg8 : memref<8x2048xf32, #tpu.memory_space<vmem>>) dst(%dma_wait3A_162 : memref<8x2048xf32, #tpu.memory_space<hbm>>)
      } else {
      }
      %add3A_56 = arith.constant 2 : i32
      %add3A_57 = arith.addi %add3A_37, %add3A_56 : i32
      %lt3A_58 = arith.constant 64 : i32
      %lt3A_59 = arith.cmpi slt, %add3A_57, %lt3A_58 : i32
      %convert_element_type3A_60 = arith.extui %lt3A_59 : i1 to i32
      %cond3A_61 = arith.constant 0 : i32
      %cond3A_62 = arith.cmpi ne, %convert_element_type3A_60, %cond3A_61 : i32
      scf.if %cond3A_62 {
        %add3A_159 = arith.constant 2 : i32
        %add3A_160 = arith.addi %add3A_37, %add3A_159 : i32
        %mul3A_161 = arith.constant 8 : i32
        %mul3A_162 = arith.muli %add3A_160, %mul3A_161 : i32
        %dma_start3A_163 = tpu.memref_slice %arg5[%mul3A_162] : memref<512xi32, #tpu.memory_space<vmem>> -> memref<8xi32, #tpu.memory_space<vmem>>
        %dma_start3A_164 = arith.constant 0 : i32
        %dma_start3A_165 = arith.constant 0 : i32
        %dma_start3A_166 = tpu.memref_slice %arg2[%dma_start3A_164, %dma_start3A_165] : memref<4096x2048xf32, #tpu.memory_space<hbm>> -> memref<4096x2048xf32, #tpu.memory_space<hbm>>
        tpu.enqueue_indirect_dma source(%dma_start3A_166 : memref<4096x2048xf32, #tpu.memory_space<hbm>>) target(%arg8 : memref<8x2048xf32, #tpu.memory_space<vmem>>) offsets(%dma_start3A_163 : memref<8xi32, #tpu.memory_space<vmem>>) semaphore(%arg10 : memref<!tpu.dma_semaphore, #tpu.memory_space<semaphore_mem>>)
      } else {
      }
      %add3A_63 = arith.constant 1 : i32
      %add3A_64 = arith.addi %add3A_35, %add3A_63 : i32
      %dma_wait3A_65 = arith.constant 0 : i32
      %dma_wait3A_66 = arith.constant 0 : i32
      %dma_wait3A_67 = tpu.memref_slice %arg2[%dma_wait3A_65, %dma_wait3A_66] : memref<4096x2048xf32, #tpu.memory_space<hbm>> -> memref<8x2048xf32, #tpu.memory_space<hbm>>
      %dma_wait3A_68 = arith.constant 0 : i32
      %dma_wait3A_69 = arith.constant 0 : i32
      %dma_wait3A_70 = tpu.memref_slice %arg2[%dma_wait3A_68, %dma_wait3A_69] : memref<4096x2048xf32, #tpu.memory_space<hbm>> -> memref<8x2048xf32, #tpu.memory_space<hbm>>
      tpu.wait_dma2 semaphore(%arg10 : memref<!tpu.dma_semaphore, #tpu.memory_space<semaphore_mem>>) src(%dma_wait3A_70 : memref<8x2048xf32, #tpu.memory_space<hbm>>) dst(%arg7 : memref<8x2048xf32, #tpu.memory_space<vmem>>)
      %mul3A_71 = arith.constant 8 : i32
      %mul3A_72 = arith.muli %add3A_64, %mul3A_71 : i32
      %add3A_73 = arith.addi %mul3A_2, %mul3A_72 : i32
      %dma_start3A_74 = arith.constant 0 : i32
      %dma_start3A_75 = tpu.memref_slice %arg4[%add3A_73, %dma_start3A_74] : memref<16384x2048xf32, #tpu.memory_space<hbm>> -> memref<8x2048xf32, #tpu.memory_space<hbm>>
      %dma_start3A_76 = arith.constant 0 : i32
      %dma_start3A_77 = tpu.memref_slice %arg4[%add3A_73, %dma_start3A_76] : memref<16384x2048xf32, #tpu.memory_space<hbm>> -> memref<8x2048xf32, #tpu.memory_space<hbm>>
      tpu.enqueue_dma source(%arg7 : memref<8x2048xf32, #tpu.memory_space<vmem>>) target(%dma_start3A_77 : memref<8x2048xf32, #tpu.memory_space<hbm>>) target_semaphore(%arg11 : memref<!tpu.dma_semaphore, #tpu.memory_space<semaphore_mem>>)
      %ge3A_78 = arith.constant 2 : i32
      %ge3A_79 = arith.cmpi sge, %add3A_64, %ge3A_78 : i32
      %add3A_80 = arith.constant 2 : i32
      %add3A_81 = arith.addi %add3A_64, %add3A_80 : i32
      %lt3A_82 = arith.constant 64 : i32
      %lt3A_83 = arith.cmpi slt, %add3A_81, %lt3A_82 : i32
      %and3A_84 = arith.andi %ge3A_79, %lt3A_83 : i1
      %convert_element_type3A_85 = arith.extui %and3A_84 : i1 to i32
      %cond3A_86 = arith.constant 0 : i32
      %cond3A_87 = arith.cmpi ne, %convert_element_type3A_85, %cond3A_86 : i32
      scf.if %cond3A_87 {
        %dma_wait3A_159 = arith.constant 0 : i32
        %dma_wait3A_160 = tpu.memref_slice %arg4[%mul3A_2, %dma_wait3A_159] : memref<16384x2048xf32, #tpu.memory_space<hbm>> -> memref<8x2048xf32, #tpu.memory_space<hbm>>
        %dma_wait3A_161 = arith.constant 0 : i32
        %dma_wait3A_162 = tpu.memref_slice %arg4[%mul3A_2, %dma_wait3A_161] : memref<16384x2048xf32, #tpu.memory_space<hbm>> -> memref<8x2048xf32, #tpu.memory_space<hbm>>
        tpu.wait_dma2 semaphore(%arg11 : memref<!tpu.dma_semaphore, #tpu.memory_space<semaphore_mem>>) src(%arg9 : memref<8x2048xf32, #tpu.memory_space<vmem>>) dst(%dma_wait3A_162 : memref<8x2048xf32, #tpu.memory_space<hbm>>)
      } else {
      }
      %add3A_88 = arith.constant 2 : i32
      %add3A_89 = arith.addi %add3A_64, %add3A_88 : i32
      %lt3A_90 = arith.constant 64 : i32
      %lt3A_91 = arith.cmpi slt, %add3A_89, %lt3A_90 : i32
      %convert_element_type3A_92 = arith.extui %lt3A_91 : i1 to i32
      %cond3A_93 = arith.constant 0 : i32
      %cond3A_94 = arith.cmpi ne, %convert_element_type3A_92, %cond3A_93 : i32
      scf.if %cond3A_94 {
        %add3A_159 = arith.constant 2 : i32
        %add3A_160 = arith.addi %add3A_64, %add3A_159 : i32
        %mul3A_161 = arith.constant 8 : i32
        %mul3A_162 = arith.muli %add3A_160, %mul3A_161 : i32
        %dma_start3A_163 = tpu.memref_slice %arg5[%mul3A_162] : memref<512xi32, #tpu.memory_space<vmem>> -> memref<8xi32, #tpu.memory_space<vmem>>
        %dma_start3A_164 = arith.constant 0 : i32
        %dma_start3A_165 = arith.constant 0 : i32
        %dma_start3A_166 = tpu.memref_slice %arg2[%dma_start3A_164, %dma_start3A_165] : memref<4096x2048xf32, #tpu.memory_space<hbm>> -> memref<4096x2048xf32, #tpu.memory_space<hbm>>
        tpu.enqueue_indirect_dma source(%dma_start3A_166 : memref<4096x2048xf32, #tpu.memory_space<hbm>>) target(%arg9 : memref<8x2048xf32, #tpu.memory_space<vmem>>) offsets(%dma_start3A_163 : memref<8xi32, #tpu.memory_space<vmem>>) semaphore(%arg10 : memref<!tpu.dma_semaphore, #tpu.memory_space<semaphore_mem>>)
      } else {
      }
      %add3A_95 = arith.constant 2 : i32
      %add3A_96 = arith.addi %add3A_35, %add3A_95 : i32
      %dma_wait3A_97 = arith.constant 0 : i32
      %dma_wait3A_98 = arith.constant 0 : i32
      %dma_wait3A_99 = tpu.memref_slice %arg2[%dma_wait3A_97, %dma_wait3A_98] : memref<4096x2048xf32, #tpu.memory_space<hbm>> -> memref<8x2048xf32, #tpu.memory_space<hbm>>
      %dma_wait3A_100 = arith.constant 0 : i32
      %dma_wait3A_101 = arith.constant 0 : i32
      %dma_wait3A_102 = tpu.memref_slice %arg2[%dma_wait3A_100, %dma_wait3A_101] : memref<4096x2048xf32, #tpu.memory_space<hbm>> -> memref<8x2048xf32, #tpu.memory_space<hbm>>
      tpu.wait_dma2 semaphore(%arg10 : memref<!tpu.dma_semaphore, #tpu.memory_space<semaphore_mem>>) src(%dma_wait3A_102 : memref<8x2048xf32, #tpu.memory_space<hbm>>) dst(%arg8 : memref<8x2048xf32, #tpu.memory_space<vmem>>)
      %mul3A_103 = arith.constant 8 : i32
      %mul3A_104 = arith.muli %add3A_96, %mul3A_103 : i32
      %add3A_105 = arith.addi %mul3A_2, %mul3A_104 : i32
      %dma_start3A_106 = arith.constant 0 : i32
      %dma_start3A_107 = tpu.memref_slice %arg4[%add3A_105, %dma_start3A_106] : memref<16384x2048xf32, #tpu.memory_space<hbm>> -> memref<8x2048xf32, #tpu.memory_space<hbm>>
      %dma_start3A_108 = arith.constant 0 : i32
      %dma_start3A_109 = tpu.memref_slice %arg4[%add3A_105, %dma_start3A_108] : memref<16384x2048xf32, #tpu.memory_space<hbm>> -> memref<8x2048xf32, #tpu.memory_space<hbm>>
      tpu.enqueue_dma source(%arg8 : memref<8x2048xf32, #tpu.memory_space<vmem>>) target(%dma_start3A_109 : memref<8x2048xf32, #tpu.memory_space<hbm>>) target_semaphore(%arg11 : memref<!tpu.dma_semaphore, #tpu.memory_space<semaphore_mem>>)
      %ge3A_110 = arith.constant 2 : i32
      %ge3A_111 = arith.cmpi sge, %add3A_96, %ge3A_110 : i32
      %add3A_112 = arith.constant 2 : i32
      %add3A_113 = arith.addi %add3A_96, %add3A_112 : i32
      %lt3A_114 = arith.constant 64 : i32
      %lt3A_115 = arith.cmpi slt, %add3A_113, %lt3A_114 : i32
      %and3A_116 = arith.andi %ge3A_111, %lt3A_115 : i1
      %convert_element_type3A_117 = arith.extui %and3A_116 : i1 to i32
      %cond3A_118 = arith.constant 0 : i32
      %cond3A_119 = arith.cmpi ne, %convert_element_type3A_117, %cond3A_118 : i32
      scf.if %cond3A_119 {
        %dma_wait3A_159 = arith.constant 0 : i32
        %dma_wait3A_160 = tpu.memref_slice %arg4[%mul3A_2, %dma_wait3A_159] : memref<16384x2048xf32, #tpu.memory_space<hbm>> -> memref<8x2048xf32, #tpu.memory_space<hbm>>
        %dma_wait3A_161 = arith.constant 0 : i32
        %dma_wait3A_162 = tpu.memref_slice %arg4[%mul3A_2, %dma_wait3A_161] : memref<16384x2048xf32, #tpu.memory_space<hbm>> -> memref<8x2048xf32, #tpu.memory_space<hbm>>
        tpu.wait_dma2 semaphore(%arg11 : memref<!tpu.dma_semaphore, #tpu.memory_space<semaphore_mem>>) src(%arg6 : memref<8x2048xf32, #tpu.memory_space<vmem>>) dst(%dma_wait3A_162 : memref<8x2048xf32, #tpu.memory_space<hbm>>)
      } else {
      }
      %add3A_120 = arith.constant 2 : i32
      %add3A_121 = arith.addi %add3A_96, %add3A_120 : i32
      %lt3A_122 = arith.constant 64 : i32
      %lt3A_123 = arith.cmpi slt, %add3A_121, %lt3A_122 : i32
      %convert_element_type3A_124 = arith.extui %lt3A_123 : i1 to i32
      %cond3A_125 = arith.constant 0 : i32
      %cond3A_126 = arith.cmpi ne, %convert_element_type3A_124, %cond3A_125 : i32
      scf.if %cond3A_126 {
        %add3A_159 = arith.constant 2 : i32
        %add3A_160 = arith.addi %add3A_96, %add3A_159 : i32
        %mul3A_161 = arith.constant 8 : i32
        %mul3A_162 = arith.muli %add3A_160, %mul3A_161 : i32
        %dma_start3A_163 = tpu.memref_slice %arg5[%mul3A_162] : memref<512xi32, #tpu.memory_space<vmem>> -> memref<8xi32, #tpu.memory_space<vmem>>
        %dma_start3A_164 = arith.constant 0 : i32
        %dma_start3A_165 = arith.constant 0 : i32
        %dma_start3A_166 = tpu.memref_slice %arg2[%dma_start3A_164, %dma_start3A_165] : memref<4096x2048xf32, #tpu.memory_space<hbm>> -> memref<4096x2048xf32, #tpu.memory_space<hbm>>
        tpu.enqueue_indirect_dma source(%dma_start3A_166 : memref<4096x2048xf32, #tpu.memory_space<hbm>>) target(%arg6 : memref<8x2048xf32, #tpu.memory_space<vmem>>) offsets(%dma_start3A_163 : memref<8xi32, #tpu.memory_space<vmem>>) semaphore(%arg10 : memref<!tpu.dma_semaphore, #tpu.memory_space<semaphore_mem>>)
      } else {
      }
      %add3A_127 = arith.constant 3 : i32
      %add3A_128 = arith.addi %add3A_35, %add3A_127 : i32
      %dma_wait3A_129 = arith.constant 0 : i32
      %dma_wait3A_130 = arith.constant 0 : i32
      %dma_wait3A_131 = tpu.memref_slice %arg2[%dma_wait3A_129, %dma_wait3A_130] : memref<4096x2048xf32, #tpu.memory_space<hbm>> -> memref<8x2048xf32, #tpu.memory_space<hbm>>
      %dma_wait3A_132 = arith.constant 0 : i32
      %dma_wait3A_133 = arith.constant 0 : i32
      %dma_wait3A_134 = tpu.memref_slice %arg2[%dma_wait3A_132, %dma_wait3A_133] : memref<4096x2048xf32, #tpu.memory_space<hbm>> -> memref<8x2048xf32, #tpu.memory_space<hbm>>
      tpu.wait_dma2 semaphore(%arg10 : memref<!tpu.dma_semaphore, #tpu.memory_space<semaphore_mem>>) src(%dma_wait3A_134 : memref<8x2048xf32, #tpu.memory_space<hbm>>) dst(%arg9 : memref<8x2048xf32, #tpu.memory_space<vmem>>)
      %mul3A_135 = arith.constant 8 : i32
      %mul3A_136 = arith.muli %add3A_128, %mul3A_135 : i32
      %add3A_137 = arith.addi %mul3A_2, %mul3A_136 : i32
      %dma_start3A_138 = arith.constant 0 : i32
      %dma_start3A_139 = tpu.memref_slice %arg4[%add3A_137, %dma_start3A_138] : memref<16384x2048xf32, #tpu.memory_space<hbm>> -> memref<8x2048xf32, #tpu.memory_space<hbm>>
      %dma_start3A_140 = arith.constant 0 : i32
      %dma_start3A_141 = tpu.memref_slice %arg4[%add3A_137, %dma_start3A_140] : memref<16384x2048xf32, #tpu.memory_space<hbm>> -> memref<8x2048xf32, #tpu.memory_space<hbm>>
      tpu.enqueue_dma source(%arg9 : memref<8x2048xf32, #tpu.memory_space<vmem>>) target(%dma_start3A_141 : memref<8x2048xf32, #tpu.memory_space<hbm>>) target_semaphore(%arg11 : memref<!tpu.dma_semaphore, #tpu.memory_space<semaphore_mem>>)
      %ge3A_142 = arith.constant 2 : i32
      %ge3A_143 = arith.cmpi sge, %add3A_128, %ge3A_142 : i32
      %add3A_144 = arith.constant 2 : i32
      %add3A_145 = arith.addi %add3A_128, %add3A_144 : i32
      %lt3A_146 = arith.constant 64 : i32
      %lt3A_147 = arith.cmpi slt, %add3A_145, %lt3A_146 : i32
      %and3A_148 = arith.andi %ge3A_143, %lt3A_147 : i1
      %convert_element_type3A_149 = arith.extui %and3A_148 : i1 to i32
      %cond3A_150 = arith.constant 0 : i32
      %cond3A_151 = arith.cmpi ne, %convert_element_type3A_149, %cond3A_150 : i32
      scf.if %cond3A_151 {
        %dma_wait3A_159 = arith.constant 0 : i32
        %dma_wait3A_160 = tpu.memref_slice %arg4[%mul3A_2, %dma_wait3A_159] : memref<16384x2048xf32, #tpu.memory_space<hbm>> -> memref<8x2048xf32, #tpu.memory_space<hbm>>
        %dma_wait3A_161 = arith.constant 0 : i32
        %dma_wait3A_162 = tpu.memref_slice %arg4[%mul3A_2, %dma_wait3A_161] : memref<16384x2048xf32, #tpu.memory_space<hbm>> -> memref<8x2048xf32, #tpu.memory_space<hbm>>
        tpu.wait_dma2 semaphore(%arg11 : memref<!tpu.dma_semaphore, #tpu.memory_space<semaphore_mem>>) src(%arg7 : memref<8x2048xf32, #tpu.memory_space<vmem>>) dst(%dma_wait3A_162 : memref<8x2048xf32, #tpu.memory_space<hbm>>)
      } else {
      }
      %add3A_152 = arith.constant 2 : i32
      %add3A_153 = arith.addi %add3A_128, %add3A_152 : i32
      %lt3A_154 = arith.constant 64 : i32
      %lt3A_155 = arith.cmpi slt, %add3A_153, %lt3A_154 : i32
      %convert_element_type3A_156 = arith.extui %lt3A_155 : i1 to i32
      %cond3A_157 = arith.constant 0 : i32
      %cond3A_158 = arith.cmpi ne, %convert_element_type3A_156, %cond3A_157 : i32
      scf.if %cond3A_158 {
        %add3A_159 = arith.constant 2 : i32
        %add3A_160 = arith.addi %add3A_128, %add3A_159 : i32
        %mul3A_161 = arith.constant 8 : i32
        %mul3A_162 = arith.muli %add3A_160, %mul3A_161 : i32
        %dma_start3A_163 = tpu.memref_slice %arg5[%mul3A_162] : memref<512xi32, #tpu.memory_space<vmem>> -> memref<8xi32, #tpu.memory_space<vmem>>
        %dma_start3A_164 = arith.constant 0 : i32
        %dma_start3A_165 = arith.constant 0 : i32
        %dma_start3A_166 = tpu.memref_slice %arg2[%dma_start3A_164, %dma_start3A_165] : memref<4096x2048xf32, #tpu.memory_space<hbm>> -> memref<4096x2048xf32, #tpu.memory_space<hbm>>
        tpu.enqueue_indirect_dma source(%dma_start3A_166 : memref<4096x2048xf32, #tpu.memory_space<hbm>>) target(%arg7 : memref<8x2048xf32, #tpu.memory_space<vmem>>) offsets(%dma_start3A_163 : memref<8xi32, #tpu.memory_space<vmem>>) semaphore(%arg10 : memref<!tpu.dma_semaphore, #tpu.memory_space<semaphore_mem>>)
      } else {
      }
    }
    %scan3A_15 = arith.constant 16 : i32
    %dma_wait3A = arith.constant 0 : i32
    %dma_wait3A_16 = tpu.memref_slice %arg4[%mul3A_2, %dma_wait3A] : memref<16384x2048xf32, #tpu.memory_space<hbm>> -> memref<8x2048xf32, #tpu.memory_space<hbm>>
    %dma_wait3A_17 = arith.constant 0 : i32
    %dma_wait3A_18 = tpu.memref_slice %arg4[%mul3A_2, %dma_wait3A_17] : memref<16384x2048xf32, #tpu.memory_space<hbm>> -> memref<8x2048xf32, #tpu.memory_space<hbm>>
    tpu.wait_dma2 semaphore(%arg11 : memref<!tpu.dma_semaphore, #tpu.memory_space<semaphore_mem>>) src(%arg6 : memref<8x2048xf32, #tpu.memory_space<vmem>>) dst(%dma_wait3A_18 : memref<8x2048xf32, #tpu.memory_space<hbm>>)
    %dma_wait3A_19 = arith.constant 0 : i32
    %dma_wait3A_20 = tpu.memref_slice %arg4[%mul3A_2, %dma_wait3A_19] : memref<16384x2048xf32, #tpu.memory_space<hbm>> -> memref<8x2048xf32, #tpu.memory_space<hbm>>
    %dma_wait3A_21 = arith.constant 0 : i32
    %dma_wait3A_22 = tpu.memref_slice %arg4[%mul3A_2, %dma_wait3A_21] : memref<16384x2048xf32, #tpu.memory_space<hbm>> -> memref<8x2048xf32, #tpu.memory_space<hbm>>
    tpu.wait_dma2 semaphore(%arg11 : memref<!tpu.dma_semaphore, #tpu.memory_space<semaphore_mem>>) src(%arg7 : memref<8x2048xf32, #tpu.memory_space<vmem>>) dst(%dma_wait3A_22 : memref<8x2048xf32, #tpu.memory_space<hbm>>)
    %dma_wait3A_23 = arith.constant 0 : i32
    %dma_wait3A_24 = tpu.memref_slice %arg4[%mul3A_2, %dma_wait3A_23] : memref<16384x2048xf32, #tpu.memory_space<hbm>> -> memref<8x2048xf32, #tpu.memory_space<hbm>>
    %dma_wait3A_25 = arith.constant 0 : i32
    %dma_wait3A_26 = tpu.memref_slice %arg4[%mul3A_2, %dma_wait3A_25] : memref<16384x2048xf32, #tpu.memory_space<hbm>> -> memref<8x2048xf32, #tpu.memory_space<hbm>>
    tpu.wait_dma2 semaphore(%arg11 : memref<!tpu.dma_semaphore, #tpu.memory_space<semaphore_mem>>) src(%arg8 : memref<8x2048xf32, #tpu.memory_space<vmem>>) dst(%dma_wait3A_26 : memref<8x2048xf32, #tpu.memory_space<hbm>>)
    %dma_wait3A_27 = arith.constant 0 : i32
    %dma_wait3A_28 = tpu.memref_slice %arg4[%mul3A_2, %dma_wait3A_27] : memref<16384x2048xf32, #tpu.memory_space<hbm>> -> memref<8x2048xf32, #tpu.memory_space<hbm>>
    %dma_wait3A_29 = arith.constant 0 : i32
    %dma_wait3A_30 = tpu.memref_slice %arg4[%mul3A_2, %dma_wait3A_29] : memref<16384x2048xf32, #tpu.memory_space<hbm>> -> memref<8x2048xf32, #tpu.memory_space<hbm>>
    tpu.wait_dma2 semaphore(%arg11 : memref<!tpu.dma_semaphore, #tpu.memory_space<semaphore_mem>>) src(%arg9 : memref<8x2048xf32, #tpu.memory_space<vmem>>) dst(%dma_wait3A_30 : memref<8x2048xf32, #tpu.memory_space<hbm>>)
    return
  }
}

</mosaic_0001>

<sc_bundles>
// kernel: kernel.3.cloned.1.call-start
scs
__scs_entry_jumppad:
0x0: {  	(pc) =	sbr.rel $0x88, $3  }
0x1: {  	(tag) =	ssettag $0x0;
	lr =	simm.s32 $0x1  }
0x2: {  	[smem:$0x3F9F] =	sst lr;
	_ =	strace $0xD0000000  }
0x3: {  	_ = 	snop  }
0x4: {  	_ = 	snop  }
0x5: {  	_ = 	snop  }
0x6: {  	_ = 	snop  }
0x7: {  	_ = 	snop  }
__scs_overlays_trampoline_lowered:
0x8: {  	[smem:$0x3FAE] =	sst s0  }
0x9: {  	[smem:$0x3FAF] =	sst s1  }
0xa: {  	[smem:$0x3FB0] =	sst s2  }
0xb: {  	[smem:$0x3FB1] =	sst s3  }
0xc: {  	[smem:$0x3FB2] =	sst s4  }
0xd: {  	[smem:$0x3FB3] =	sst s5  }
0xe: {  	[smem:$0x3FB4] =	sst s6  }
0xf: {  	[smem:$0x3FB5] =	sst s7  }
0x10: {  	[smem:$0x3FB6] =	sst s8  }
0x11: {  	[smem:$0x3FB7] =	sst s9;
	s0 =	simm.s32 @!p0 $0x0  }
0x12: {  	s1 =	sld [smem:$0x3F9D];
	s0 =	simm.s32 @p0 $0x1  }
0x13: {  	[smem:$0x3FB8] =	sst s0;
	s0 =	simm.s32 @!p1 $0x0  }
0x14: {  	s2 =	sld [smem:$0x3F9C];
	s0 =	simm.s32 @p1 $0x1  }
0x15: {  	[smem:$0x3FB9] =	sst s0;
	s0 =	simm.s32 @!p2 $0x0  }
0x16: {  	s3 =	sld [smem:$0x3FDB];
	s0 =	simm.s32 @p2 $0x1  }
0x17: {  	s4 =	simm.s32 $0x1BF5;
	[smem:$0x3FBB] =	sst s0  }
0x18: {  	s0 =	sld [smem:$0x3F9E];
	_ =	swait.ge [sflag:s4], $0x0  }
0x19: {  	s7 =	sld [smem:$0x3F9F]  }
0x1a: {  	s8 =	sadd.s32 $0xFFFFE003, lr  }
0x1b: {  	s9 =	sadd.s32 $0xFFFFFEF7, lr;
	s5 =	simm.s32 $0xFFFFFFFF;
	p2 =	slt.u32 s8, $0xFFFFF086  }
0x1c: {  	p1 =	slt.u32 s9, $0xF7A;
	s5 =	simm.s32 @!p2 $0x0  }
0x1d: {  	s5 =	simm.s32 @p1 $0x1;
	p0 =	seq.s32 s7, s2  }
0x1e: {  	s7 =	smul.u32 @!p0 $0xF7A, s2;
	p2 =	seq.s32 @!p0 s5, $0x0  }
0x1f: {  	s9 =	smul.u32 $0xF7A, s1;
	s8 =	simm.s32 @!p0 $0x1BF5;
	p2 =	por !p2, p0  }
0x20: {  	[sflag:s8] =	ssyncset.s32 @!p0 $0xFFFFF086;
	s6 =	sadd.s32 @!p0 s3, s7;
	s7 =	simm.s32 @!p0 $0x108  }
0x21: {  	s3 =	sadd.s32 s3, s9;
	s6 =	sadd.s32 @!p0 $0x88, s6;
	s7 =	simm.s32 @p2 $0x1082  }
0x22: {  	[simem:s7], [sflag:s8] =	dma.local @!p0 [hbm:s6], $0xF7A  }
0x23: {  	s9 =	sor.u32 $0xD0000000, s2;
	s6 =	simm.s32 $0x108;
	_ =	swait.ge @!p0 [sflag:s8], $0x0  }
0x24: {  	s3 =	sadd.s32 $0x88, s3;
	s6 =	simm.s32 @!p1 $0x1082;
	[sflag:s4] =	ssyncset.s32 $0xFFFFF086  }
0x25: {  	[simem:s6], [sflag:s4] =	dma.local [hbm:s3], $0xF7A  }
0x26: {  	[smem:$0x3F9F] =	sst s1;
	(tag) =	ssettag s2;
	_ =	strace s9  }
0x27: {  	s1 =	sld [smem:$0x3FAF]  }
0x28: {  	s2 =	sld [smem:$0x3FB0]  }
0x29: {  	s4 =	sld [smem:$0x3FB2]  }
0x2a: {  	p0 =	seq.s32 s5, $0x0;
	s5 =	sld [smem:$0x3FB3]  }
0x2b: {  	s6 =	sld [smem:$0x3FB4]  }
0x2c: {  	s7 =	sld [smem:$0x3FB5]  }
0x2d: {  	s3 =	simm.s32 $0x108;
	s8 =	sld [smem:$0x3FB6]  }
0x2e: {  	s3 =	simm.s32 @!p0 $0x1082;
	s9 =	sld [smem:$0x3FB7]  }
0x2f: {  	lr =	sadd.s32 s0, s3;
	s0 =	sld [smem:$0x3FAE]  }
0x30: {  	s3 =	sld [smem:$0x3FB1]  }
0x31: {  	[smem:$0x3FBA] =	sst s10  }
0x32: {  	s10 =	sld [smem:$0x3FB8];
	_ =	sdelay $0x3  }
0x33: {  	p0 =	seq.s32 s10, $0x1;
	s10 =	sld [smem:$0x3FBA];
	_ =	sdelay $0x3  }
0x34: {  	[smem:$0x3FBA] =	sst s10  }
0x35: {  	s10 =	sld [smem:$0x3FB9];
	_ =	sdelay $0x3  }
0x36: {  	p1 =	seq.s32 s10, $0x1;
	s10 =	sld [smem:$0x3FBA];
	_ =	sdelay $0x3  }
0x37: {  	[smem:$0x3FBA] =	sst s10  }
0x38: {  	s10 =	sld [smem:$0x3FBB]  }
0x39: {  	_ = 	snop;
	(pc) =	sbr.ind lr, $3  }
0x3a: {  	_ = 	snop  }
0x3b: {  	_ = 	snop  }
0x3c: {  	p2 =	seq.s32 s10, $0x1;
	s10 =	sld [smem:$0x3FBA]  }
0x3d: {  	_ =	shalt  }
0x3e: {  	_ =	shalt  }
0x3f: {  	_ =	shalt  }
0x40: {  	_ =	shalt  }
0x41: {  	_ =	shalt  }
0x42: {  	_ =	shalt  }
0x43: {  	_ =	shalt  }
0x44: {  	_ =	shalt  }
0x45: {  	_ =	shalt  }
0x46: {  	_ =	shalt  }
0x47: {  	_ =	shalt  }
0x48: {  	_ =	shalt  }
0x49: {  	_ =	shalt  }
0x4a: {  	_ =	shalt  }
0x4b: {  	_ =	shalt  }
0x4c: {  	_ =	shalt  }
0x4d: {  	_ =	shalt  }
0x4e: {  	_ =	shalt  }
0x4f: {  	_ =	shalt  }
0x50: {  	_ =	shalt  }
0x51: {  	_ =	shalt  }
0x52: {  	_ =	shalt  }
0x53: {  	_ =	shalt  }
0x54: {  	_ =	shalt  }
0x55: {  	_ =	shalt  }
0x56: {  	_ =	shalt  }
0x57: {  	_ =	shalt  }
0x58: {  	_ =	shalt  }
0x59: {  	_ =	shalt  }
0x5a: {  	_ =	shalt  }
0x5b: {  	_ =	shalt  }
0x5c: {  	_ =	shalt  }
0x5d: {  	_ =	shalt  }
0x5e: {  	_ =	shalt  }
0x5f: {  	_ =	shalt  }
0x60: {  	_ =	shalt  }
0x61: {  	_ =	shalt  }
0x62: {  	_ =	shalt  }
0x63: {  	_ =	shalt  }
0x64: {  	_ =	shalt  }
0x65: {  	_ =	shalt  }
0x66: {  	_ =	shalt  }
0x67: {  	_ =	shalt  }
0x68: {  	_ =	shalt  }
0x69: {  	_ =	shalt  }
0x6a: {  	_ =	shalt  }
0x6b: {  	_ =	shalt  }
0x6c: {  	_ =	shalt  }
0x6d: {  	_ =	shalt  }
0x6e: {  	_ =	shalt  }
0x6f: {  	_ =	shalt  }
0x70: {  	_ =	shalt  }
0x71: {  	_ =	shalt  }
0x72: {  	_ =	shalt  }
0x73: {  	_ =	shalt  }
0x74: {  	_ =	shalt  }
0x75: {  	_ =	shalt  }
0x76: {  	_ =	shalt  }
0x77: {  	_ =	shalt  }
0x78: {  	_ =	shalt  }
0x79: {  	_ =	shalt  }
0x7a: {  	_ =	shalt  }
0x7b: {  	_ =	shalt  }
0x7c: {  	_ =	shalt  }
0x7d: {  	_ =	shalt  }
0x7e: {  	_ =	shalt  }
0x7f: {  	_ =	shalt  }
0x80: {  	_ =	shalt  }
0x81: {  	_ =	shalt  }
0x82: {  	_ =	shalt  }
0x83: {  	_ =	shalt  }
0x84: {  	_ =	shalt  }
0x85: {  	_ =	shalt  }
0x86: {  	_ =	shalt  }
0x87: {  	_ =	shalt  }
.Lfunc_end0:
.L_simem_size_0:
called_computation_lowered:
.L_overlay_start_0:
0x88: {  	s2 =	sld [smem:$0x3FD9]  }
0x89: {  	s3 =	sld [smem:$0x3FFE];
	_ =	sdelay $0x1  }
0x8a: {  	s1 =	srdreg.scid  }
0x8b: {  	s0 =	sand.u32 $0x1, s1  }
0x8c: {  	s17 =	sshll.u32 s0, $0xA;
	s2 =	sadd.s32 s3, s2  }
0x8d: {  	s2 =	sadd.s32 s2, s17  }
0x8e: {  	[smem:$0x3FC6] =	sst s2  }
0x8f: {  	_ = 	snop  }
0x90: {  	s2 =	sld [smem:$0x3FC8]  }
0x91: {  	s18 =	sld [smem:$0x3FD0];
	(tm) =	ssettm $0x1  }
0x92: {  	s4 =	sld [smem:$0x3FFB];
	_ =	sdelay $0x3  }
0x93: {  	_ =	strace s4  }
0x94: {  	s4 =	sld [smem:$0x3FFC];
	_ =	sdelay $0x3  }
0x95: {  	_ =	strace s4  }
0x96: {  	s4 =	sld [smem:$0x3FFD];
	_ =	sdelay $0x3  }
0x97: {  	_ =	strace s4  }
0x98: {  	_ =	strace $0x8FFFFFFF  }
0x99: {  	s19 =	sld [smem:$0x3FDB];
	_ =	sdelay $0x1  }
0x9a: {  	s5 =	simm.s32 $_scs_section_size  }
0x9b: {  	s6 =	simm.s32 $_size__tile_overlayer_lowered;
	s7 =	simm.s32 $_tile_overlayer_lowered  }
0x9c: {  	s22 =	simm.s32 $0x1BFF;
	s21 =	sshll.u32 s7, $0x1;
	s4 =	sadd.s32 s5, s19  }
0x9d: {  	s8 =	simm.s32 $0x0;
	s20 =	sshll.u32 s6, $0x1;
	s6 =	sadd.s32 s21, s4  }
0x9e: {  	[timem:s8], [sflag:s22] =	dma.local [hbm:s6], s20  }
0x9f: {  	_ =	swait.ge [sflag:s22], s20  }
0xa0: {  	s5 =	ssub.s32 $0x0, s20;
	[sflag:s22] =	ssyncset.done $0x0  }
0xa1: {  	[sflag:s22] =	ssyncadd.s32 s5;
	_ =	sdelay $0x1  }
0xa2: {  	s23 =	simm.s32 $0x1B8B  }
0xa3: {  	_ =	swait.ge [sflag:s23], $0x1  }
0xa4: {  	[sflag:s23] =	ssyncset.done $0x0  }
0xa5: {  	s25 =	simm.s32 $0x1B8E;
	s24 =	sld [smem:$0x3FFE];
	[sflag:s23] =	ssyncadd.s32 $0xFFFFFFFF  }
0xa6: {  	s26 =	simm.s32 $execute0_lowered;
	[smem:$0x3FD2] =	sst s25  }
0xa7: {  	s6 =	sshll.u32 s26, $0x1;
	_ =	strace $0x80000046;
	[dreg:$0x1] =	wrdreg $0xFFFFFFFF  }
0xa8: {  	s28 =	simm.s32 $_size_execute0_lowered;
	s4 =	sadd.s32 s4, s6;
	[dreg:$0x0] =	wrdreg $0x0  }
0xa9: {  	s6 =	sshll.u32 s28, $0x1;
	[dreg:$0x2] =	wrdreg s4  }
0xaa: {  	[dreg:$0x3] =	wrdreg s6  }
0xab: {  	[dreg:$0x4] =	wrdreg $0xC0  }
0xac: {  	_ =	task [dreg:s8], $0x5FFFF  }
0xad: {  	[dreg:$0x1] =	wrdreg $0xFFFFFFFF  }
0xae: {  	[dreg:$0x0] =	wrdreg $0x60  }
0xaf: {  	[dreg:$0x2] =	wrdreg s2  }
0xb0: {  	[dreg:$0x3] =	wrdreg s24  }
0xb1: {  	[dreg:$0x4] =	wrdreg s18  }
0xb2: {  	[dreg:$0x5] =	wrdreg $0x9  }
0xb3: {  	_ =	task.clear_ibuf [dreg:s8], $0x6FFFF;
	_ =	strace $0x90000046  }
0xb4: {  	s29 =	simm.s32 $0x9;
	_ =	strace $0x80000048  }
0xb5: {  	_ =	swait.ge [sflag:s29], $0x1  }
0xb6: {  	[sflag:s29] =	ssyncadd.s32 $0xFFFFFFFF  }
0xb7: {  	_ =	strace $0x90000048  }
0xb8: {  	_ =	sfence  }
0xb9: {  	s30 =	sld [smem:$0x0];
	_ =	sdelay $0x2  }
0xba: {  	s31 =	sshll.u32 s1, $0xD;
	s1 =	sshrl.u32 s1, $0x2  }
0xbb: {  	s3 =	sand.u32 $0x4000, s31;
	s1 =	sadd.s32 s1, s30  }
0xbc: {  	s0 =	sor.u32 s3, s0;
	s1 =	sshll.u32 s1, $0x11  }
0xbd: {  	s0 =	sor.u32 s1, s0  }
0xbe: {  	s0 =	sadd.s32 $0x8F2B, s0  }
0xbf: {  	[sflag:s0] =	ssyncadd.remote.s32 $0x1  }
0xc0: {  	_ =	sfence.sel $0xFFFF  }
0xc1: {  	[dreg:$0x0] =	wrdreg $0xFFFFFFFF;
	(pc) =	sbr.abs _section_cstart, $3  }
0xc2: {  	[dreg:$0x1] =	wrdreg $0xFFFFFFFF  }
0xc3: {  	_ =	task.clear_ibuf [dreg:s8], $0x2FFFF;
	_ =	strace $0x9FFFFFFF  }
0xc4: {  	(tm) =	ssettm $0x7FFFFFFF  }
0xc5: {  	_ =	shalt  }
tec
execute0_lowered:
.L_overlay_start_1:
0x0: {  	(tag) =	ssettag $0x1  }
0x1: {  	s1 =	rddreg [dreg:$0x0]  }
0x2: {  	s0 =	srdreg.scid;
	s2 =	rddreg [dreg:$0x1]  }
0x3: {  	s14 =	stileid.u32;
	s4 =	rddreg [dreg:$0x2];
	s18 =	simm.s32 $0x1  }
0x4: {  	s19 =	simm.s32 $0x8200;
	s16 =	simm.s32 $0xC200;
	s17 =	simm.s32 $0xCA00  }
0x5: {  	s28 =	simm.s32 $0xDA00;
	s29 =	simm.s32 $0xE200;
	s30 =	simm.s32 $0xEA00  }
0x6: {  	s31 =	simm.s32 $0xF200;
	s21 =	simm.s32 $0x0;
	s0 =	sand.u32 $0x1, s0  }
0x7: {  	s3 =	sshll.u32 s14, $0xA;
	s7 =	sadd.s32 $0x300, s1;
	s8 =	sadd.s32 $0x400, s1  }
0x8: {  	s9 =	sadd.s32 $0x500, s1;
	s10 =	sadd.s32 $0x600, s1;
	s11 =	sadd.s32 $0x700, s1  }
0x9: {  	s25 =	sshll.u32 s14, $0x12;
	s5 =	sshll.u32 s0, $0x9;
	s6 =	ssub.s32 $0x2, s0  }
0xa: {  	s0 =	sshll.u32 s0, $0x11;
	s12 =	sor.u32 s5, s3;
	s3 =	simm.s32 $0x0  }
0xb: {  	s24 =	sshrl.u32 s6, $0x1;
	s5 =	sshrl.u32 s12, $0x3;
	[smem:$0x7FF] =	sst s3  }
0xc: {  	s13 =	ssub.s32 s6, s24;
	s6 =	sadd.s32 $0x200, s1;
	s12 =	sshll.u32 s12, $0x8  }
0xd: {  	s2 =	sadd.s32 s5, s2;
	_ =	strace $0x80000047;
	s5 =	sadd.s32 $0x100, s1  }
.Ltmp0:
0xe: {  	s12 =	sadd.s32 s12, s4;
	s26 =	smax.u32 s13, $0x1;
	(pc) =	sbr.rel .LBB2_1-.Ltmp0, $4  }
0xf: {  	s13 =	simm.s32 $0xBA00;
	s2 =	sadd.s32 $0x400, s2;
	[dreg:$0x5] =	wrdreg s26  }
0x10: {  	v0 =	vlaneseq.u32;
	s15 =	sadd.s32 $0x1000, s12;
	s26 =	simm.s32 $0xD200;
	[dreg:$0x4] =	wrdreg s2  }
0x11: {  	v1 =	vshrl.u32 v0, $0x3;
	s2 =	sadd.s32 s25, s4;
	s25 =	simm.s32 $0x4200;
	s4 =	simm.s32 $0xB200  }
0x12: {  	vm0 =	vmmov $0xffff;
	v0 =	vand.u32 $0x7, v0;
	v1 =	vmul.u32 $0x8, v1;
	s14 =	sadd.s32 s0, s2;
	s2 =	simm.s32 $0xFA00;
	s0 =	simm.s32 $0x2  }
.LBB2_4:
0x13: {  	_ =	swait.ge [sflag:s0], $0x4000  }
0x14: {  	[sflag:s0] =	ssyncset.done $0x0  }
0x15: {  	[sflag:s0] =	ssyncadd.s32 $0xFFFFC000  }
0x16: {  	_ =	swait.ge [sflag:s0], $0x4000  }
0x17: {  	[sflag:s0] =	ssyncset.done $0x0  }
0x18: {  	[sflag:s0] =	ssyncadd.s32 $0xFFFFC000  }
0x19: {  	_ =	swait.ge [sflag:s0], $0x4000  }
0x1a: {  	s21 =	rddreg [dreg:$0x6]  }
0x1b: {  	s20 =	rddreg [dreg:$0x5];
	s21 =	sadd.s32 $0x1, s21  }
0x1c: {  	p0 =	sne.s32 s21, s20  }
.Ltmp1:
0x1d: {  	_ = 	snop;
	(pc) =	sbr.rel @!p0 .LBB2_5-.Ltmp1, $3  }
0x1e: {  	_ =	sdelay $0x1  }
0x1f: {  	[sflag:s0] =	ssyncset.done $0x0  }
0x20: {  	[sflag:s0] =	ssyncadd.s32 $0xFFFFC000  }
.LBB2_1:
0x21: {  	[dreg:$0x6] =	wrdreg s21  }
0x22: {  	s20 =	rddreg [dreg:$0x4];
	s21 =	simm.s32 $0x3  }
0x23: {  	[tilespmem:s3], [sflag:$0x3] =	stream.linear.gather [hbm4b:s20+s3], $0x200, $0x38;
	[tilespmem:$0x10200] =	vst v63  }
0x24: {  	_ =	swait.ge [sflag:s21], $0x200  }
0x25: {  	[sflag:s21] =	ssyncset.done $0x0  }
0x26: {  	[sflag:s21] =	ssyncadd.s32 $0xFFFFFE00  }
0x27: {  	v2 =	vld.msk [tilespmem:$0x0], $0xff;
	_ =	sdelay $0x4  }
0x28: {  	v3 =	vshll.u32 v2, $0x4  }
0x29: {  	v2 =	vand.u32 $0x7, v2;
	v3 =	vand.u32 $0xFFFFFF80, v3  }
0x2a: {  	v2 =	vor.u32 v2, v3  }
0x2b: {  	v2 =	vperm.xlane v2, v0;
	_ =	sdelay $0x1  }
0x2c: {  	v2 =	vadd.s32 v1, v2;
	_ =	sdelay $0x3  }
0x2d: {  	s22 =	simm.s32 $0x200  }
0x2e: {  	[tilespmem:s22], [sflag:$0x1] =	stream.indirect_vreg.gather [hbm4b:s1+s3], $0x80, v2, vm0, $0xb8;
	[tilespmem:$0x10200] =	vst v63  }
0x2f: {  	s23 =	simm.s32 $0xA00  }
0x30: {  	[tilespmem:s23], [sflag:$0x1] =	stream.indirect_vreg.gather [hbm4b:s5+s3], $0x80, v2, vm0, $0xb8;
	[tilespmem:$0x10200] =	vst v63  }
0x31: {  	s24 =	simm.s32 $0x1200  }
0x32: {  	[tilespmem:s24], [sflag:$0x1] =	stream.indirect_vreg.gather [hbm4b:s6+s3], $0x80, v2, vm0, $0xb8;
	[tilespmem:$0x10200] =	vst v63  }
0x33: {  	s21 =	simm.s32 $0x1A00  }
0x34: {  	[tilespmem:s21], [sflag:$0x1] =	stream.indirect_vreg.gather [hbm4b:s7+s3], $0x80, v2, vm0, $0xb8;
	[tilespmem:$0x10200] =	vst v63  }
0x35: {  	s22 =	simm.s32 $0x2200  }
0x36: {  	[tilespmem:s22], [sflag:$0x1] =	stream.indirect_vreg.gather [hbm4b:s8+s3], $0x80, v2, vm0, $0xb8;
	[tilespmem:$0x10200] =	vst v63  }
0x37: {  	s23 =	simm.s32 $0x2A00  }
0x38: {  	[tilespmem:s23], [sflag:$0x1] =	stream.indirect_vreg.gather [hbm4b:s9+s3], $0x80, v2, vm0, $0xb8;
	[tilespmem:$0x10200] =	vst v63  }
0x39: {  	s24 =	simm.s32 $0x3200  }
0x3a: {  	[tilespmem:s24], [sflag:$0x1] =	stream.indirect_vreg.gather [hbm4b:s10+s3], $0x80, v2, vm0, $0xb8;
	[tilespmem:$0x10200] =	vst v63  }
0x3b: {  	s21 =	simm.s32 $0x3A00  }
0x3c: {  	[tilespmem:s21], [sflag:$0x1] =	stream.indirect_vreg.gather [hbm4b:s11+s3], $0x80, v2, vm0, $0xb8;
	[tilespmem:$0x10200] =	vst v63  }
0x3d: {  	v2 =	vld.msk [tilespmem:$0x8], $0xff;
	_ =	sdelay $0x4  }
0x3e: {  	v3 =	vshll.u32 v2, $0x4  }
0x3f: {  	v2 =	vand.u32 $0x7, v2;
	v3 =	vand.u32 $0xFFFFFF80, v3  }
0x40: {  	v2 =	vor.u32 v2, v3  }
0x41: {  	v2 =	vperm.xlane v2, v0;
	_ =	sdelay $0x1  }
0x42: {  	v2 =	vadd.s32 v1, v2;
	_ =	sdelay $0x4  }
0x43: {  	[tilespmem:s25], [sflag:$0x1] =	stream.indirect_vreg.gather [hbm4b:s1+s3], $0x80, v2, vm0, $0xb8;
	[tilespmem:$0x10200] =	vst v63  }
0x44: {  	s22 =	simm.s32 $0x4A00  }
0x45: {  	[tilespmem:s22], [sflag:$0x1] =	stream.indirect_vreg.gather [hbm4b:s5+s3], $0x80, v2, vm0, $0xb8;
	[tilespmem:$0x10200] =	vst v63  }
0x46: {  	s23 =	simm.s32 $0x5200  }
0x47: {  	[tilespmem:s23], [sflag:$0x1] =	stream.indirect_vreg.gather [hbm4b:s6+s3], $0x80, v2, vm0, $0xb8;
	[tilespmem:$0x10200] =	vst v63  }
0x48: {  	s24 =	simm.s32 $0x5A00  }
0x49: {  	[tilespmem:s24], [sflag:$0x1] =	stream.indirect_vreg.gather [hbm4b:s7+s3], $0x80, v2, vm0, $0xb8;
	[tilespmem:$0x10200] =	vst v63  }
0x4a: {  	s21 =	simm.s32 $0x6200  }
0x4b: {  	[tilespmem:s21], [sflag:$0x1] =	stream.indirect_vreg.gather [hbm4b:s8+s3], $0x80, v2, vm0, $0xb8;
	[tilespmem:$0x10200] =	vst v63  }
0x4c: {  	s22 =	simm.s32 $0x6A00  }
0x4d: {  	[tilespmem:s22], [sflag:$0x1] =	stream.indirect_vreg.gather [hbm4b:s9+s3], $0x80, v2, vm0, $0xb8;
	[tilespmem:$0x10200] =	vst v63  }
0x4e: {  	s23 =	simm.s32 $0x7200  }
0x4f: {  	[tilespmem:s23], [sflag:$0x1] =	stream.indirect_vreg.gather [hbm4b:s10+s3], $0x80, v2, vm0, $0xb8;
	[tilespmem:$0x10200] =	vst v63  }
0x50: {  	s20 =	simm.s32 $0x18;
	s24 =	simm.s32 $0x7A00;
	s21 =	simm.s32 $0x0  }
0x51: {  	[tilespmem:s24], [sflag:$0x1] =	stream.indirect_vreg.gather [hbm4b:s11+s3], $0x80, v2, vm0, $0xb8;
	[tilespmem:$0x10200] =	vst v63  }
.LBB2_2:
0x52: {  	_ =	swait.ge [sflag:s18], $0x4000  }
0x53: {  	s22 =	sadd.s32 s21, s14;
	[sflag:s18] =	ssyncset.done $0x0  }
0x54: {  	s23 =	simm.s32 $0x200;
	p0 =	seq.s32 s21, $0x0;
	[sflag:s18] =	ssyncadd.s32 $0xFFFFC000  }
0x55: {  	[hbm4b:s22+s3] =	stream.linear.scatter [tilespmem:s23], [sflag:$0x2], $0x4000, $0x38;
	[tilespmem:$0x10200] =	vst v63  }
0x56: {  	s23 =	simm.s32 @!p0 $0x2  }
0x57: {  	_ =	swait.ge @!p0 [sflag:s23], $0x4000  }
0x58: {  	[sflag:s23] =	ssyncset.done @!p0 $0x0  }
0x59: {  	[sflag:s23] =	ssyncadd.s32 @!p0 $0xFFFFC000  }
0x5a: {  	v2 =	vld.msk [tilespmem:s20+$0xFFFFFFF8], $0xff;
	_ =	sdelay $0x4  }
0x5b: {  	v3 =	vshll.u32 v2, $0x4  }
0x5c: {  	v2 =	vand.u32 $0x7, v2;
	v3 =	vand.u32 $0xFFFFFF80, v3  }
0x5d: {  	v2 =	vor.u32 v2, v3  }
0x5e: {  	v2 =	vperm.xlane v2, v0;
	_ =	sdelay $0x1  }
0x5f: {  	v2 =	vadd.s32 v1, v2;
	_ =	sdelay $0x4  }
0x60: {  	[tilespmem:s19], [sflag:$0x1] =	stream.indirect_vreg.gather [hbm4b:s1+s3], $0x80, v2, vm0, $0xb8;
	[tilespmem:$0x10200] =	vst v63  }
0x61: {  	s24 =	simm.s32 $0x8A00  }
0x62: {  	[tilespmem:s24], [sflag:$0x1] =	stream.indirect_vreg.gather [hbm4b:s5+s3], $0x80, v2, vm0, $0xb8;
	[tilespmem:$0x10200] =	vst v63  }
0x63: {  	s24 =	simm.s32 $0x9200  }
0x64: {  	[tilespmem:s24], [sflag:$0x1] =	stream.indirect_vreg.gather [hbm4b:s6+s3], $0x80, v2, vm0, $0xb8;
	[tilespmem:$0x10200] =	vst v63  }
0x65: {  	s24 =	simm.s32 $0x9A00  }
0x66: {  	[tilespmem:s24], [sflag:$0x1] =	stream.indirect_vreg.gather [hbm4b:s7+s3], $0x80, v2, vm0, $0xb8;
	[tilespmem:$0x10200] =	vst v63  }
0x67: {  	s24 =	simm.s32 $0xA200  }
0x68: {  	[tilespmem:s24], [sflag:$0x1] =	stream.indirect_vreg.gather [hbm4b:s8+s3], $0x80, v2, vm0, $0xb8;
	[tilespmem:$0x10200] =	vst v63  }
0x69: {  	s24 =	simm.s32 $0xAA00  }
0x6a: {  	[tilespmem:s24], [sflag:$0x1] =	stream.indirect_vreg.gather [hbm4b:s9+s3], $0x80, v2, vm0, $0xb8;
	[tilespmem:$0x10200] =	vst v63  }
0x6b: {  	_ = 	snop  }
0x6c: {  	[tilespmem:s4], [sflag:$0x1] =	stream.indirect_vreg.gather [hbm4b:s10+s3], $0x80, v2, vm0, $0xb8;
	[tilespmem:$0x10200] =	vst v63  }
0x6d: {  	_ = 	snop  }
0x6e: {  	[tilespmem:s13], [sflag:$0x1] =	stream.indirect_vreg.gather [hbm4b:s11+s3], $0x80, v2, vm0, $0xb8;
	[tilespmem:$0x10200] =	vst v63  }
0x6f: {  	_ =	swait.ge [sflag:s18], $0x4000  }
0x70: {  	s22 =	sadd.s32 s21, s12;
	[sflag:s18] =	ssyncset.done $0x0  }
0x71: {  	s24 =	sadd.s32 $0x800, s22;
	[sflag:s18] =	ssyncadd.s32 $0xFFFFC000  }
0x72: {  	[hbm4b:s24+s3] =	stream.linear.scatter [tilespmem:s25], [sflag:$0x2], $0x4000, $0x38;
	[tilespmem:$0x10200] =	vst v63  }
0x73: {  	_ =	swait.ge @!p0 [sflag:s23], $0x4000  }
0x74: {  	[sflag:s23] =	ssyncset.done @!p0 $0x0  }
0x75: {  	[sflag:s23] =	ssyncadd.s32 @!p0 $0xFFFFC000  }
0x76: {  	v2 =	vld.msk [tilespmem:s20+$0x0], $0xff;
	_ =	sdelay $0x4  }
0x77: {  	v3 =	vshll.u32 v2, $0x4  }
0x78: {  	v2 =	vand.u32 $0x7, v2;
	v3 =	vand.u32 $0xFFFFFF80, v3  }
0x79: {  	v2 =	vor.u32 v2, v3  }
0x7a: {  	v2 =	vperm.xlane v2, v0;
	_ =	sdelay $0x1  }
0x7b: {  	v2 =	vadd.s32 v1, v2;
	_ =	sdelay $0x4  }
0x7c: {  	[tilespmem:s16], [sflag:$0x1] =	stream.indirect_vreg.gather [hbm4b:s1+s3], $0x80, v2, vm0, $0xb8;
	[tilespmem:$0x10200] =	vst v63  }
0x7d: {  	_ = 	snop  }
0x7e: {  	[tilespmem:s17], [sflag:$0x1] =	stream.indirect_vreg.gather [hbm4b:s5+s3], $0x80, v2, vm0, $0xb8;
	[tilespmem:$0x10200] =	vst v63  }
0x7f: {  	_ = 	snop  }
0x80: {  	[tilespmem:s26], [sflag:$0x1] =	stream.indirect_vreg.gather [hbm4b:s6+s3], $0x80, v2, vm0, $0xb8;
	[tilespmem:$0x10200] =	vst v63  }
0x81: {  	_ = 	snop  }
0x82: {  	[tilespmem:s28], [sflag:$0x1] =	stream.indirect_vreg.gather [hbm4b:s7+s3], $0x80, v2, vm0, $0xb8;
	[tilespmem:$0x10200] =	vst v63  }
0x83: {  	_ = 	snop  }
0x84: {  	[tilespmem:s29], [sflag:$0x1] =	stream.indirect_vreg.gather [hbm4b:s8+s3], $0x80, v2, vm0, $0xb8;
	[tilespmem:$0x10200] =	vst v63  }
0x85: {  	_ = 	snop  }
0x86: {  	[tilespmem:s30], [sflag:$0x1] =	stream.indirect_vreg.gather [hbm4b:s9+s3], $0x80, v2, vm0, $0xb8;
	[tilespmem:$0x10200] =	vst v63  }
0x87: {  	_ = 	snop  }
0x88: {  	[tilespmem:s31], [sflag:$0x1] =	stream.indirect_vreg.gather [hbm4b:s10+s3], $0x80, v2, vm0, $0xb8;
	[tilespmem:$0x10200] =	vst v63  }
0x89: {  	_ = 	snop  }
0x8a: {  	[tilespmem:s2], [sflag:$0x1] =	stream.indirect_vreg.gather [hbm4b:s11+s3], $0x80, v2, vm0, $0xb8;
	[tilespmem:$0x10200] =	vst v63  }
0x8b: {  	_ =	swait.ge [sflag:s18], $0x4000  }
0x8c: {  	p0 =	seq.s32 s21, $0x1E000;
	[sflag:s18] =	ssyncset.done $0x0  }
0x8d: {  	s24 =	sadd.s32 s21, s15;
	s23 =	simm.s32 @!p0 $0x2;
	[sflag:s18] =	ssyncadd.s32 $0xFFFFC000  }
0x8e: {  	[hbm4b:s24+s3] =	stream.linear.scatter [tilespmem:s19], [sflag:$0x2], $0x4000, $0x38;
	[tilespmem:$0x10200] =	vst v63  }
0x8f: {  	_ =	swait.ge @!p0 [sflag:s23], $0x4000  }
0x90: {  	[sflag:s23] =	ssyncset.done @!p0 $0x0  }
0x91: {  	[sflag:s23] =	ssyncadd.s32 @!p0 $0xFFFFC000  }
0x92: {  	v2 =	vld.msk @!p0 [tilespmem:s20+$0x8], $0xff;
	_ =	sdelay $0x4  }
0x93: {  	v3 =	vshll.u32 @!p0 v2, $0x4  }
0x94: {  	v4 =	vlaneseq.u32 @!p0;
	v2 =	vand.u32 @!p0 $0x7, v2;
	v3 =	vand.u32 @!p0 $0xFFFFFF80, v3  }
0x95: {  	v2 =	vor.u32 @!p0 v2, v3;
	v3 =	vand.u32 @!p0 $0x7, v4;
	v4 =	vshrl.u32 @!p0 v4, $0x3  }
0x96: {  	v2 =	vperm.xlane @!p0 v2, v3;
	v3 =	vmul.u32 @!p0 $0x8, v4;
	_ =	sdelay $0x1  }
0x97: {  	v2 =	vadd.s32 @!p0 v3, v2;
	_ =	sdelay $0x3  }
0x98: {  	vm1 =	vmmov @!p0 $0xffff;
	s24 =	simm.s32 @!p0 $0x200;
	s23 =	simm.s32 @!p0 $0x0  }
0x99: {  	[tilespmem:s24], [sflag:$0x1] =	stream.indirect_vreg.gather @!p0 [hbm4b:s1+s23], $0x80, v2, vm1, $0xb8;
	[tilespmem:$0x10200] =	vst v63  }
0x9a: {  	s24 =	simm.s32 @!p0 $0xA00  }
0x9b: {  	[tilespmem:s24], [sflag:$0x1] =	stream.indirect_vreg.gather @!p0 [hbm4b:s5+s23], $0x80, v2, vm1, $0xb8;
	[tilespmem:$0x10200] =	vst v63  }
0x9c: {  	s24 =	simm.s32 @!p0 $0x1200  }
0x9d: {  	[tilespmem:s24], [sflag:$0x1] =	stream.indirect_vreg.gather @!p0 [hbm4b:s6+s23], $0x80, v2, vm1, $0xb8;
	[tilespmem:$0x10200] =	vst v63  }
0x9e: {  	s24 =	simm.s32 @!p0 $0x1A00  }
0x9f: {  	[tilespmem:s24], [sflag:$0x1] =	stream.indirect_vreg.gather @!p0 [hbm4b:s7+s23], $0x80, v2, vm1, $0xb8;
	[tilespmem:$0x10200] =	vst v63  }
0xa0: {  	s24 =	simm.s32 @!p0 $0x2200  }
0xa1: {  	[tilespmem:s24], [sflag:$0x1] =	stream.indirect_vreg.gather @!p0 [hbm4b:s8+s23], $0x80, v2, vm1, $0xb8;
	[tilespmem:$0x10200] =	vst v63  }
0xa2: {  	s24 =	simm.s32 @!p0 $0x2A00  }
0xa3: {  	[tilespmem:s24], [sflag:$0x1] =	stream.indirect_vreg.gather @!p0 [hbm4b:s9+s23], $0x80, v2, vm1, $0xb8;
	[tilespmem:$0x10200] =	vst v63  }
0xa4: {  	s24 =	simm.s32 @!p0 $0x3200  }
0xa5: {  	[tilespmem:s24], [sflag:$0x1] =	stream.indirect_vreg.gather @!p0 [hbm4b:s10+s23], $0x80, v2, vm1, $0xb8;
	[tilespmem:$0x10200] =	vst v63  }
0xa6: {  	s24 =	simm.s32 @!p0 $0x3A00  }
0xa7: {  	[tilespmem:s24], [sflag:$0x1] =	stream.indirect_vreg.gather @!p0 [hbm4b:s11+s23], $0x80, v2, vm1, $0xb8;
	[tilespmem:$0x10200] =	vst v63  }
0xa8: {  	_ =	swait.ge [sflag:s18], $0x4000  }
0xa9: {  	[sflag:s18] =	ssyncset.done $0x0  }
.Ltmp2:
0xaa: {  	s22 =	sadd.s32 $0x1800, s22;
	[sflag:s18] =	ssyncadd.s32 $0xFFFFC000;
	(pc) =	sbr.rel @p0 .LBB2_4-.Ltmp2, $4  }
0xab: {  	[hbm4b:s22+s3] =	stream.linear.scatter [tilespmem:s16], [sflag:$0x2], $0x4000, $0x38;
	[tilespmem:$0x10200] =	vst v63  }
0xac: {  	_ =	swait.ge [sflag:s0], $0x4000  }
0xad: {  	[sflag:s0] =	ssyncset.done $0x0  }
0xae: {  	[sflag:s0] =	ssyncadd.s32 $0xFFFFC000  }
0xaf: {  	v2 =	vld.msk [tilespmem:s20+$0x10], $0xff;
	_ =	sdelay $0x4  }
0xb0: {  	v3 =	vshll.u32 v2, $0x4  }
0xb1: {  	v2 =	vand.u32 $0x7, v2;
	v3 =	vand.u32 $0xFFFFFF80, v3  }
0xb2: {  	v2 =	vor.u32 v2, v3  }
0xb3: {  	v2 =	vperm.xlane v2, v0;
	_ =	sdelay $0x1  }
0xb4: {  	v2 =	vadd.s32 v1, v2;
	_ =	sdelay $0x4  }
0xb5: {  	[tilespmem:s25], [sflag:$0x1] =	stream.indirect_vreg.gather [hbm4b:s1+s3], $0x80, v2, vm0, $0xb8;
	[tilespmem:$0x10200] =	vst v63  }
0xb6: {  	s22 =	simm.s32 $0x4A00  }
0xb7: {  	[tilespmem:s22], [sflag:$0x1] =	stream.indirect_vreg.gather [hbm4b:s5+s3], $0x80, v2, vm0, $0xb8;
	[tilespmem:$0x10200] =	vst v63  }
0xb8: {  	s23 =	simm.s32 $0x5200  }
0xb9: {  	[tilespmem:s23], [sflag:$0x1] =	stream.indirect_vreg.gather [hbm4b:s6+s3], $0x80, v2, vm0, $0xb8;
	[tilespmem:$0x10200] =	vst v63  }
0xba: {  	s24 =	simm.s32 $0x5A00  }
0xbb: {  	[tilespmem:s24], [sflag:$0x1] =	stream.indirect_vreg.gather [hbm4b:s7+s3], $0x80, v2, vm0, $0xb8;
	[tilespmem:$0x10200] =	vst v63  }
0xbc: {  	s23 =	simm.s32 $0x6200  }
0xbd: {  	[tilespmem:s23], [sflag:$0x1] =	stream.indirect_vreg.gather [hbm4b:s8+s3], $0x80, v2, vm0, $0xb8;
	[tilespmem:$0x10200] =	vst v63  }
0xbe: {  	s24 =	simm.s32 $0x6A00  }
0xbf: {  	[tilespmem:s24], [sflag:$0x1] =	stream.indirect_vreg.gather [hbm4b:s9+s3], $0x80, v2, vm0, $0xb8;
	[tilespmem:$0x10200] =	vst v63  }
.Ltmp3:
0xc0: {  	_ = 	snop;
	(pc) =	sbr.rel .LBB2_2-.Ltmp3, $4  }
0xc1: {  	s23 =	simm.s32 $0x7200  }
0xc2: {  	[tilespmem:s23], [sflag:$0x1] =	stream.indirect_vreg.gather [hbm4b:s10+s3], $0x80, v2, vm0, $0xb8;
	[tilespmem:$0x10200] =	vst v63  }
0xc3: {  	s21 =	sadd.s32 $0x2000, s21;
	s20 =	sadd.s32 $0x20, s20;
	s24 =	simm.s32 $0x7A00  }
0xc4: {  	[tilespmem:s24], [sflag:$0x1] =	stream.indirect_vreg.gather [hbm4b:s11+s3], $0x80, v2, vm0, $0xb8;
	[tilespmem:$0x10200] =	vst v63  }
.LBB2_5:
0xc5: {  	_ =	sfence.sel $0x180000  }
0xc6: {  	[bflag:$0x0] =	sbarrier.arrive $0xFFFF  }
0xc7: {  	_ =	strace $0x90000047  }
0xc8: {  	s0 =	stileid.u32;
	[bflag:$0x2] =	sbarrier.arrive $0xFFFF  }
0xc9: {  	p0 =	sne.s32 s0, $0x0;
	s0 =	rddreg [dreg:$0x3]  }
0xca: {  	s0 =	sadd.s32 @!p0 $0x100000, s0  }
0xcb: {  	[sflag:s0] =	ssyncadd.tile.s32 @!p0 $0x1;
	_ =	shalt  }
.Lfunc_end2:
_tile_overlayer_lowered:
.L_overlay_start_2:
0xcc: {  	(tag) =	ssettag $0x2  }
0xcd: {  	s0 =	rddreg [dreg:$0x0];
	s2 =	stileid.u32  }
0xce: {  	s1 =	rddreg [dreg:$0x1];
	p0 =	sne.s32 s2, $0x0  }
0xcf: {  	s3 =	rddreg [dreg:$0x2];
	[bflag:$0x3] =	sbarrier.arrive $0xFFFF;
	s2 =	simm.s32 @!p0 $0x1C03  }
0xd0: {  	[timem:s3], [sflag:s2] =	dma.local @!p0 [hbm:s0], s1  }
0xd1: {  	s0 =	simm.s32 @!p0 $0x3  }
0xd2: {  	_ =	swait.ge @!p0 [sflag:s0], s1  }
0xd3: {  	s1 =	ssub.s32 @!p0 $0x0, s1;
	[sflag:s0] =	ssyncset.done @!p0 $0x0  }
0xd4: {  	[sflag:s0] =	ssyncadd.s32 @!p0 s1  }
0xd5: {  	[bflag:$0x3] =	sbarrier.arrive $0xFFFF  }
0xd6: {  	_ =	shalt  }

</sc_bundles>
